<compile_context>
chip_gen: v7x
topology: tpu7x:2x2x1
jax: 0.10.2.dev20260603
libtpu: 0.0.44.dev20260713+nightly
codegen_flags: <defaults>
</compile_context>

<pallas_src>
import jax
import jax.numpy as jnp
from jax import lax
from jax.experimental import pallas as pl
from jax.experimental.pallas import tpu as pltpu
from jax.experimental.pallas import tpu_sc as plsc

B = 4096
L = 200
D = 64
NSHAPE = 26
NCOLOUR = 10
NCOMBO = NSHAPE * NCOLOUR

NC = 2
NS = 16
NW = NC * NS
COLS_PER_W = B // NW
KGROUPS = COLS_PER_W // 16

TUNROLL = 16


def _hist_body(shapes_hbm, colours_hbm, hist_hbm, sblk, cblk, bins, sem_s, sem_c):
    wid = lax.axis_index("s") * NC + lax.axis_index("c")
    col0 = wid * COLS_PER_W

    cp_s = pltpu.async_copy(shapes_hbm.at[:, pl.ds(col0, COLS_PER_W)], sblk, sem_s)
    cp_c = pltpu.async_copy(colours_hbm.at[:, pl.ds(col0, COLS_PER_W)], cblk, sem_c)

    lane = jnp.arange(16, dtype=jnp.int32)
    zero16 = jnp.zeros((16,), jnp.float32)
    ones16 = jnp.ones((16,), jnp.float32)

    @plsc.parallel_loop(0, NCOMBO, 1, unroll=4)
    def _zero(c):
        for u in range(KGROUPS):
            bins[c, pl.ds(u * 16, 16)] = zero16

    cp_s.wait()
    cp_c.wait()

    def kbody(k, carry):
        blv = lane + k * 16
        koff = k * 16

        @plsc.parallel_loop(0, L, 1, unroll=TUNROLL)
        def _tok(t):
            s = sblk[t, pl.ds(koff, 16)]
            c = cblk[t, pl.ds(koff, 16)]
            plsc.addupdate_scatter(bins, [s * NCOLOUR + c, blv], ones16)

        return carry

    lax.fori_loop(0, KGROUPS, kbody, 0)

    pltpu.sync_copy(bins, hist_hbm.at[:, pl.ds(col0, COLS_PER_W)])


def _histogram(shapes_t, colours_t):
    mesh = plsc.VectorSubcoreMesh(core_axis_name="c", subcore_axis_name="s")
    hist = pl.kernel(
        _hist_body,
        mesh=mesh,
        compiler_params=pltpu.CompilerParams(
            needs_layout_passes=False,
        ),
        out_type=jax.ShapeDtypeStruct((NCOMBO, B), jnp.float32),
        scratch_types=[
            pltpu.VMEM((L, COLS_PER_W), jnp.int32),
            pltpu.VMEM((L, COLS_PER_W), jnp.int32),
            pltpu.VMEM((NCOMBO, COLS_PER_W), jnp.float32),
            pltpu.SemaphoreType.DMA,
            pltpu.SemaphoreType.DMA,
        ],
    )(shapes_t, colours_t)
    return hist


def _table_body(srep_ref, ctile_ref, wff_ref, bff_ref, t_ref):
    e = srep_ref[...] + ctile_ref[...]
    t_ref[...] = jax.nn.relu(
        jnp.dot(e, wff_ref[...], preferred_element_type=jnp.float32)
        + bff_ref[...]
    )


def _dense_body(hist_ref, t_ref, sym_ref, w1a_ref, w1b_ref, b1_ref,
                w2t_ref, b2_ref, out_ref):
    seq = jnp.einsum('cb,cd->bd', hist_ref[...], t_ref[...],
                     preferred_element_type=jnp.float32) * (1.0 / L)
    h = jax.nn.relu(
        jnp.dot(seq, w1a_ref[...], preferred_element_type=jnp.float32)
        + jnp.dot(sym_ref[...], w1b_ref[...], preferred_element_type=jnp.float32)
        + b1_ref[...]
    )
    out_ref[...] = (
        jnp.einsum('ed,bd->eb', w2t_ref[...], h,
                   preferred_element_type=jnp.float32) + b2_ref[...][:, None]
    )


def kernel(shapes_list, colours_list, sym, shape_embed, colour_embed,
           W_ff, b_ff, W1, b1, W2, b2):
    hist = _histogram(shapes_list.T.astype(jnp.int32),
                      colours_list.T.astype(jnp.int32))

    s_rep = jnp.repeat(shape_embed, NCOLOUR, axis=0)
    c_tile = jnp.tile(colour_embed, (NSHAPE, 1))
    w1a = W1[:D, :]
    w1b = W1[D:, :]

    t_tab = pl.pallas_call(
        _table_body,
        out_shape=jax.ShapeDtypeStruct((NCOMBO, D), jnp.float32),
    )(s_rep, c_tile, W_ff, b_ff)

    nblk = 2
    bblk = B // nblk
    full = lambda shape: pl.BlockSpec(shape, lambda i: (0,) * len(shape))
    logits = pl.pallas_call(
        _dense_body,
        grid=(nblk,),
        in_specs=[
            pl.BlockSpec((NCOMBO, bblk), lambda i: (0, i)),
            full((NCOMBO, D)),
            pl.BlockSpec((bblk, 3), lambda i: (i, 0)),
            full((D, D)),
            full((3, D)),
            full((D,)),
            full((2, D)),
            full((2,)),
        ],
        out_specs=pl.BlockSpec((2, bblk), lambda i: (0, i)),
        out_shape=jax.ShapeDtypeStruct((2, B), jnp.float32),
        compiler_params=pltpu.CompilerParams(
            fuse_transposed_lhs_in_matmul=True,
        ),
    )(hist, t_tab, sym, w1a, w1b, b1, W2.T, b2)
    return logits.T

# --- scband reference (transcript-rebuilt; emitter-appended) ---
"""Pipeline reference for scband-deep-set-ns-88648124990784 (READ-ONLY COPY).

The authoritative reference and input builder live on the scoring server;
editing this copy changes nothing except your own understanding.
"""

import jax, jax.numpy as jnp
import numpy as np


def setup_inputs(seed: int = 0) -> dict:
    key = jax.random.key(seed)
    ks = jax.random.split(key, 10)
    B, L, d = 4096, 200, 64
    sym_dim, hidden, n_classes = 3, 64, 2
    shapes_list = jax.random.randint(ks[0], (B, L), 0, 26, dtype=jnp.int64) if jax.config.read('jax_enable_x64') else jax.random.randint(ks[0], (B, L), 0, 26)
    colours_list = jax.random.randint(ks[1], (B, L), 0, 10)
    sym = jax.random.normal(ks[2], (B, sym_dim), dtype=jnp.float32)
    shape_embed = jax.random.normal(ks[3], (26, d), dtype=jnp.float32) * 0.02
    colour_embed = jax.random.normal(ks[4], (10, d), dtype=jnp.float32) * 0.02
    W_ff = jax.random.normal(ks[5], (d, d), dtype=jnp.float32) * (1.0 / np.sqrt(d))
    b_ff = jnp.zeros((d,), dtype=jnp.float32)
    W1 = jax.random.normal(ks[6], (d + sym_dim, hidden), dtype=jnp.float32) * (1.0 / np.sqrt(d + sym_dim))
    b1 = jnp.zeros((hidden,), dtype=jnp.float32)
    W2 = jax.random.normal(ks[7], (hidden, n_classes), dtype=jnp.float32) * (1.0 / np.sqrt(hidden))
    b2 = jnp.zeros((n_classes,), dtype=jnp.float32)
    return {
        'shapes_list': shapes_list,
        'colours_list': colours_list,
        'sym': sym,
        'shape_embed': shape_embed,
        'colour_embed': colour_embed,
        'W_ff': W_ff,
        'b_ff': b_ff,
        'W1': W1,
        'b1': b1,
        'W2': W2,
        'b2': b2,
    }


def reference(shapes_list, colours_list, sym, shape_embed, colour_embed, W_ff, b_ff, W1, b1, W2, b2):
    # Embedding lookups (gather) for each token in every set: [B, L, d]
    tok_vecs = jnp.take(shape_embed, shapes_list, axis=0) + jnp.take(colour_embed, colours_list, axis=0)
    # Per-token feed-forward: Linear + ReLU
    tok_vecs = jax.nn.relu(tok_vecs @ W_ff + b_ff)
    # DeepSet permutation-invariant mean pooling over the set dimension
    seq_vec = tok_vecs.mean(axis=1)  # [B, d]
    # Concatenate symbolic features and classify
    x = jnp.concatenate([seq_vec, sym], axis=1)  # [B, d + sym_dim]
    h = jax.nn.relu(x @ W1 + b1)
    logits = h @ W2 + b2
    return logits

if __name__ == "__main__":
    import jax
    _d = setup_inputs()
    print(jax.jit(kernel)(*tuple(_d.values())))

</pallas_src>

<mosaic_0001>
#map = affine_map<(d0, d1) -> (0, 0)>
module attributes {stable_mosaic.version = 14 : i64} {
  func.func @_hist_body(%arg0: i32, %arg1: i32, %arg2: memref<200x4096xi32, #tpu.memory_space<hbm>>, %arg3: memref<200x4096xi32, #tpu.memory_space<hbm>>, %arg4: memref<260x4096xf32, #tpu.memory_space<hbm>>, %arg5: memref<200x128xi32, #tpu.memory_space<vmem>>, %arg6: memref<200x128xi32, #tpu.memory_space<vmem>>, %arg7: memref<260x128xf32, #tpu.memory_space<vmem>>, %arg8: memref<!tpu.dma_semaphore, #tpu.memory_space<semaphore_mem>>, %arg9: memref<!tpu.dma_semaphore, #tpu.memory_space<semaphore_mem>>) attributes {dimension_semantics = [#tpu.dimension_semantics<core_parallel>, #tpu.dimension_semantics<subcore_parallel>], iteration_bounds = array<i64: 2, 16>, scalar_prefetch = 0 : i64, scratch_operands = 5 : i64, tpu.core_type = #tpu.core_type<sc_vector_subcore>, window_params = [{transform_indices = #map}, {transform_indices = #map}, {transform_indices = #map}]} {
    %mul3A = arith.constant 2 : i32
    %mul3A_0 = arith.muli %arg1, %mul3A : i32
    %add3A = arith.addi %mul3A_0, %arg0 : i32
    %mul3A_1 = arith.constant 128 : i32
    %mul3A_2 = arith.muli %add3A, %mul3A_1 : i32
    %dma_start3A = arith.constant 0 : i32
    %dma_start3A_3 = tpu.memref_slice %arg2[%dma_start3A, %mul3A_2] : memref<200x4096xi32, #tpu.memory_space<hbm>> -> memref<200x128xi32, #tpu.memory_space<hbm>>
    %dma_start3A_4 = arith.constant 0 : i32
    %dma_start3A_5 = tpu.memref_slice %arg2[%dma_start3A_4, %mul3A_2] : memref<200x4096xi32, #tpu.memory_space<hbm>> -> memref<200x128xi32, #tpu.memory_space<hbm>>
    tpu.enqueue_dma source(%dma_start3A_5 : memref<200x128xi32, #tpu.memory_space<hbm>>) target(%arg5 : memref<200x128xi32, #tpu.memory_space<vmem>>) target_semaphore(%arg8 : memref<!tpu.dma_semaphore, #tpu.memory_space<semaphore_mem>>)
    %dma_start3A_6 = arith.constant 0 : i32
    %dma_start3A_7 = tpu.memref_slice %arg3[%dma_start3A_6, %mul3A_2] : memref<200x4096xi32, #tpu.memory_space<hbm>> -> memref<200x128xi32, #tpu.memory_space<hbm>>
    %dma_start3A_8 = arith.constant 0 : i32
    %dma_start3A_9 = tpu.memref_slice %arg3[%dma_start3A_8, %mul3A_2] : memref<200x4096xi32, #tpu.memory_space<hbm>> -> memref<200x128xi32, #tpu.memory_space<hbm>>
    tpu.enqueue_dma source(%dma_start3A_9 : memref<200x128xi32, #tpu.memory_space<hbm>>) target(%arg6 : memref<200x128xi32, #tpu.memory_space<vmem>>) target_semaphore(%arg9 : memref<!tpu.dma_semaphore, #tpu.memory_space<semaphore_mem>>)
    %iota3A = tpu.iota {dimensions = array<i32: 0>} : vector<16xi32>
    %broadcast_in_dim3A = arith.constant 0.000000e+00 : f32
    %broadcast_in_dim3A_10 = vector.broadcast %broadcast_in_dim3A : f32 to vector<16xf32>
    %broadcast_in_dim3A_11 = arith.constant 1.000000e+00 : f32
    %broadcast_in_dim3A_12 = vector.broadcast %broadcast_in_dim3A_11 : f32 to vector<16xf32>
    %parallel_loop3A = arith.constant 0 : i32
    %parallel_loop3A_13 = arith.constant 260 : i32
    %parallel_loop3A_14 = arith.constant 1 : i32
    scf.for %parallel_loop3A_27 = %parallel_loop3A to %parallel_loop3A_13 step %parallel_loop3A_14  : i32 {
      %parallel_loop3A_28 = arith.index_cast %parallel_loop3A_27 : i32 to index
      %parallel_loop3A_29 = arith.constant 0 : index
      %parallel_loop3A_30 = tpu.vector_load %arg7[%parallel_loop3A_28, %parallel_loop3A_29] {strides = array<i32>} : memref<260x128xf32, #tpu.memory_space<vmem>>, vector<16xf32>,
      tpu.vector_store %arg7[%parallel_loop3A_28, %parallel_loop3A_29], %broadcast_in_dim3A_10 {strides = array<i32>} : memref<260x128xf32, #tpu.memory_space<vmem>>, vector<16xf32>,
      %parallel_loop3A_31 = arith.index_cast %parallel_loop3A_27 : i32 to index
      %parallel_loop3A_32 = arith.constant 16 : index
      %parallel_loop3A_33 = tpu.vector_load %arg7[%parallel_loop3A_31, %parallel_loop3A_32] {strides = array<i32>} : memref<260x128xf32, #tpu.memory_space<vmem>>, vector<16xf32>,
      tpu.vector_store %arg7[%parallel_loop3A_31, %parallel_loop3A_32], %broadcast_in_dim3A_10 {strides = array<i32>} : memref<260x128xf32, #tpu.memory_space<vmem>>, vector<16xf32>,
      %parallel_loop3A_34 = arith.index_cast %parallel_loop3A_27 : i32 to index
      %parallel_loop3A_35 = arith.constant 32 : index
      %parallel_loop3A_36 = tpu.vector_load %arg7[%parallel_loop3A_34, %parallel_loop3A_35] {strides = array<i32>} : memref<260x128xf32, #tpu.memory_space<vmem>>, vector<16xf32>,
      tpu.vector_store %arg7[%parallel_loop3A_34, %parallel_loop3A_35], %broadcast_in_dim3A_10 {strides = array<i32>} : memref<260x128xf32, #tpu.memory_space<vmem>>, vector<16xf32>,
      %parallel_loop3A_37 = arith.index_cast %parallel_loop3A_27 : i32 to index
      %parallel_loop3A_38 = arith.constant 48 : index
      %parallel_loop3A_39 = tpu.vector_load %arg7[%parallel_loop3A_37, %parallel_loop3A_38] {strides = array<i32>} : memref<260x128xf32, #tpu.memory_space<vmem>>, vector<16xf32>,
      tpu.vector_store %arg7[%parallel_loop3A_37, %parallel_loop3A_38], %broadcast_in_dim3A_10 {strides = array<i32>} : memref<260x128xf32, #tpu.memory_space<vmem>>, vector<16xf32>,
      %parallel_loop3A_40 = arith.index_cast %parallel_loop3A_27 : i32 to index
      %parallel_loop3A_41 = arith.constant 64 : index
      %parallel_loop3A_42 = tpu.vector_load %arg7[%parallel_loop3A_40, %parallel_loop3A_41] {strides = array<i32>} : memref<260x128xf32, #tpu.memory_space<vmem>>, vector<16xf32>,
      tpu.vector_store %arg7[%parallel_loop3A_40, %parallel_loop3A_41], %broadcast_in_dim3A_10 {strides = array<i32>} : memref<260x128xf32, #tpu.memory_space<vmem>>, vector<16xf32>,
      %parallel_loop3A_43 = arith.index_cast %parallel_loop3A_27 : i32 to index
      %parallel_loop3A_44 = arith.constant 80 : index
      %parallel_loop3A_45 = tpu.vector_load %arg7[%parallel_loop3A_43, %parallel_loop3A_44] {strides = array<i32>} : memref<260x128xf32, #tpu.memory_space<vmem>>, vector<16xf32>,
      tpu.vector_store %arg7[%parallel_loop3A_43, %parallel_loop3A_44], %broadcast_in_dim3A_10 {strides = array<i32>} : memref<260x128xf32, #tpu.memory_space<vmem>>, vector<16xf32>,
      %parallel_loop3A_46 = arith.index_cast %parallel_loop3A_27 : i32 to index
      %parallel_loop3A_47 = arith.constant 96 : index
      %parallel_loop3A_48 = tpu.vector_load %arg7[%parallel_loop3A_46, %parallel_loop3A_47] {strides = array<i32>} : memref<260x128xf32, #tpu.memory_space<vmem>>, vector<16xf32>,
      tpu.vector_store %arg7[%parallel_loop3A_46, %parallel_loop3A_47], %broadcast_in_dim3A_10 {strides = array<i32>} : memref<260x128xf32, #tpu.memory_space<vmem>>, vector<16xf32>,
      %parallel_loop3A_49 = arith.index_cast %parallel_loop3A_27 : i32 to index
      %parallel_loop3A_50 = arith.constant 112 : index
      %parallel_loop3A_51 = tpu.vector_load %arg7[%parallel_loop3A_49, %parallel_loop3A_50] {strides = array<i32>} : memref<260x128xf32, #tpu.memory_space<vmem>>, vector<16xf32>,
      tpu.vector_store %arg7[%parallel_loop3A_49, %parallel_loop3A_50], %broadcast_in_dim3A_10 {strides = array<i32>} : memref<260x128xf32, #tpu.memory_space<vmem>>, vector<16xf32>,
    } {sc.loop_unroll_factor = 4 : i64, sc.parallel_access}
    %dma_wait3A = arith.constant 0 : i32
    %dma_wait3A_15 = tpu.memref_slice %arg2[%dma_wait3A, %mul3A_2] : memref<200x4096xi32, #tpu.memory_space<hbm>> -> memref<200x128xi32, #tpu.memory_space<hbm>>
    %dma_wait3A_16 = arith.constant 0 : i32
    %dma_wait3A_17 = tpu.memref_slice %arg2[%dma_wait3A_16, %mul3A_2] : memref<200x4096xi32, #tpu.memory_space<hbm>> -> memref<200x128xi32, #tpu.memory_space<hbm>>
    tpu.wait_dma2 semaphore(%arg8 : memref<!tpu.dma_semaphore, #tpu.memory_space<semaphore_mem>>) src(%dma_wait3A_17 : memref<200x128xi32, #tpu.memory_space<hbm>>) dst(%arg5 : memref<200x128xi32, #tpu.memory_space<vmem>>)
    %dma_wait3A_18 = arith.constant 0 : i32
    %dma_wait3A_19 = tpu.memref_slice %arg3[%dma_wait3A_18, %mul3A_2] : memref<200x4096xi32, #tpu.memory_space<hbm>> -> memref<200x128xi32, #tpu.memory_space<hbm>>
    %dma_wait3A_20 = arith.constant 0 : i32
    %dma_wait3A_21 = tpu.memref_slice %arg3[%dma_wait3A_20, %mul3A_2] : memref<200x4096xi32, #tpu.memory_space<hbm>> -> memref<200x128xi32, #tpu.memory_space<hbm>>
    tpu.wait_dma2 semaphore(%arg9 : memref<!tpu.dma_semaphore, #tpu.memory_space<semaphore_mem>>) src(%dma_wait3A_21 : memref<200x128xi32, #tpu.memory_space<hbm>>) dst(%arg6 : memref<200x128xi32, #tpu.memory_space<vmem>>)
    %scan3A = arith.constant 0 : i32
    %scan3A_22 = arith.constant 0 : i32
    %scan3A_23 = arith.constant 8 : i32
    %scan3A_24 = arith.addi %scan3A_22, %scan3A_23 : i32
    %scan3A_25 = arith.constant 1 : i32
    scf.for %scan3A_27 = %scan3A_22 to %scan3A_24 step %scan3A_25  : i32 {
      %mul3A_28 = arith.constant 16 : i32
      %mul3A_29 = arith.muli %scan3A_27, %mul3A_28 : i32
      %add3A_30 = vector.broadcast %mul3A_29 : i32 to vector<16xi32>
      %add3A_31 = arith.addi %iota3A, %add3A_30 : vector<16xi32>
      %mul3A_32 = arith.constant 16 : i32
      %mul3A_33 = arith.muli %scan3A_27, %mul3A_32 : i32
      %parallel_loop3A_34 = arith.constant 0 : i32
      %parallel_loop3A_35 = arith.constant 200 : i32
      %parallel_loop3A_36 = arith.constant 1 : i32
      scf.for %parallel_loop3A_37 = %parallel_loop3A_34 to %parallel_loop3A_35 step %parallel_loop3A_36  : i32 {
        %parallel_loop3A_38 = arith.index_cast %parallel_loop3A_37 : i32 to index
        %parallel_loop3A_39 = arith.index_cast %mul3A_33 : i32 to index
        %parallel_loop3A_40 = tpu.vector_load %arg5[%parallel_loop3A_38, %parallel_loop3A_39] {strides = array<i32>} : memref<200x128xi32, #tpu.memory_space<vmem>>, vector<16xi32>,
        %parallel_loop3A_41 = arith.index_cast %parallel_loop3A_37 : i32 to index
        %parallel_loop3A_42 = arith.index_cast %mul3A_33 : i32 to index
        %parallel_loop3A_43 = tpu.vector_load %arg6[%parallel_loop3A_41, %parallel_loop3A_42] {strides = array<i32>} : memref<200x128xi32, #tpu.memory_space<vmem>>, vector<16xi32>,
        %parallel_loop3A_44 = arith.constant 10 : i32
        %parallel_loop3A_45 = vector.broadcast %parallel_loop3A_44 : i32 to vector<16xi32>
        %parallel_loop3A_46 = arith.muli %parallel_loop3A_40, %parallel_loop3A_45 : vector<16xi32>
        %parallel_loop3A_47 = arith.addi %parallel_loop3A_46, %parallel_loop3A_43 : vector<16xi32>
        tpu.vector_store_idx %arg7[%parallel_loop3A_47, %add3A_31], %broadcast_in_dim3A_12 {add = true} : memref<260x128xf32, #tpu.memory_space<vmem>>[vector<16xi32>, vector<16xi32>], vector<16xf32>,
      } {sc.loop_unroll_factor = 16 : i64, sc.parallel_access}
    }
    %scan3A_26 = arith.constant 8 : i32
    "tpu.region"() ({
      %run_scoped3A = tpu.sem_alloc : memref<!tpu.dma_semaphore, #tpu.memory_space<semaphore_mem>>
      %dma_start3A_27 = arith.constant 0 : i32
      %dma_start3A_28 = tpu.memref_slice %arg4[%dma_start3A_27, %mul3A_2] : memref<260x4096xf32, #tpu.memory_space<hbm>> -> memref<260x128xf32, #tpu.memory_space<hbm>>
      %dma_start3A_29 = arith.constant 0 : i32
      %dma_start3A_30 = tpu.memref_slice %arg4[%dma_start3A_29, %mul3A_2] : memref<260x4096xf32, #tpu.memory_space<hbm>> -> memref<260x128xf32, #tpu.memory_space<hbm>>
      tpu.enqueue_dma source(%arg7 : memref<260x128xf32, #tpu.memory_space<vmem>>) target(%dma_start3A_30 : memref<260x128xf32, #tpu.memory_space<hbm>>) target_semaphore(%run_scoped3A : memref<!tpu.dma_semaphore, #tpu.memory_space<semaphore_mem>>)
      %dma_wait3A_31 = arith.constant 0 : i32
      %dma_wait3A_32 = tpu.memref_slice %arg4[%dma_wait3A_31, %mul3A_2] : memref<260x4096xf32, #tpu.memory_space<hbm>> -> memref<260x128xf32, #tpu.memory_space<hbm>>
      %dma_wait3A_33 = arith.constant 0 : i32
      %dma_wait3A_34 = tpu.memref_slice %arg4[%dma_wait3A_33, %mul3A_2] : memref<260x4096xf32, #tpu.memory_space<hbm>> -> memref<260x128xf32, #tpu.memory_space<hbm>>
      tpu.wait_dma2 semaphore(%run_scoped3A : memref<!tpu.dma_semaphore, #tpu.memory_space<semaphore_mem>>) src(%arg7 : memref<260x128xf32, #tpu.memory_space<vmem>>) dst(%dma_wait3A_34 : memref<260x128xf32, #tpu.memory_space<hbm>>)
      tpu.yield
    }) : () -> ()
    return
  }
}

module attributes {stable_mosaic.version = 14 : i64} {
  func.func @_table_body(%arg0: memref<260x64xf32, #tpu.memory_space<vmem>>, %arg1: memref<260x64xf32, #tpu.memory_space<vmem>>, %arg2: memref<64x64xf32, #tpu.memory_space<vmem>>, %arg3: memref<64xf32, #tpu.memory_space<vmem>>, %arg4: memref<260x64xf32, #tpu.memory_space<vmem>>) attributes {dimension_semantics = [], scalar_prefetch = 0 : i64, scratch_operands = 0 : i64, tpu.core_type = #tpu.core_type<tc>} {
    %get3A = arith.constant 0 : index
    %get3A_0 = arith.constant 0 : index
    %get3A_1 = vector.load %arg0[%get3A, %get3A_0] : memref<260x64xf32, #tpu.memory_space<vmem>>, vector<260x64xf32>
    %get3A_2 = arith.constant 0 : index
    %get3A_3 = arith.constant 0 : index
    %get3A_4 = vector.load %arg1[%get3A_2, %get3A_3] : memref<260x64xf32, #tpu.memory_space<vmem>>, vector<260x64xf32>
    %add3A = arith.addf %get3A_1, %get3A_4 : vector<260x64xf32>
    %get3A_5 = arith.constant 0 : index
    %get3A_6 = arith.constant 0 : index
    %get3A_7 = vector.load %arg2[%get3A_5, %get3A_6] : memref<64x64xf32, #tpu.memory_space<vmem>>, vector<64x64xf32>
    %dot_general3A = arith.constant dense<0.000000e+00> : vector<260x64xf32>
    %dot_general3A_8 = tpu.matmul %add3A, %get3A_7, %dot_general3A {dimension_numbers = #tpu.dot_dimension_numbers<[1], [0], [0], [1], [0, 0, 1, 1], [], []>, transpose_lhs_hint = false} : vector<260x64xf32>, vector<64x64xf32>, vector<260x64xf32> -> vector<260x64xf32>
    %get3A_9 = arith.constant 0 : index
    %get3A_10 = vector.load %arg3[%get3A_9] : memref<64xf32, #tpu.memory_space<vmem>>, vector<64xf32>
    %broadcast_in_dim3A = vector.shape_cast %get3A_10 : vector<64xf32> to vector<1x64xf32>
    %add3A_11 = vector.broadcast %broadcast_in_dim3A : vector<1x64xf32> to vector<260x64xf32>
    %add3A_12 = arith.addf %dot_general3A_8, %add3A_11 : vector<260x64xf32>
    %max3A = arith.constant 0.000000e+00 : f32
    %max3A_13 = vector.broadcast %max3A : f32 to vector<260x64xf32>
    %max3A_14 = arith.maximumf %add3A_12, %max3A_13 : vector<260x64xf32>
    %swap3A = arith.constant 0 : index
    %swap3A_15 = arith.constant 0 : index
    %swap3A_16 = vector.load %arg4[%swap3A, %swap3A_15] : memref<260x64xf32, #tpu.memory_space<vmem>>, vector<260x64xf32>
    tpu.vector_store %arg4[%swap3A, %swap3A_15], %max3A_14 {strides = array<i32>} : memref<260x64xf32, #tpu.memory_space<vmem>>, vector<260x64xf32>,
    return
  }
}

module attributes {stable_mosaic.version = 14 : i64} {
  func.func @_dense_body(%arg0: i32, %arg1: memref<260x2048xf32, #tpu.memory_space<vmem>>, %arg2: memref<260x64xf32, #tpu.memory_space<vmem>>, %arg3: memref<2048x3xf32, #tpu.memory_space<vmem>>, %arg4: memref<64x64xf32, #tpu.memory_space<vmem>>, %arg5: memref<3x64xf32, #tpu.memory_space<vmem>>, %arg6: memref<64xf32, #tpu.memory_space<vmem>>, %arg7: memref<2x64xf32, #tpu.memory_space<vmem>>, %arg8: memref<2xf32, #tpu.memory_space<vmem>>, %arg9: memref<2x2048xf32, #tpu.memory_space<vmem>>) attributes {dimension_semantics = [#tpu.dimension_semantics<arbitrary>], iteration_bounds = array<i64: 2>, scalar_prefetch = 0 : i64, scratch_operands = 0 : i64, tpu.core_type = #tpu.core_type<tc>, window_params = [{transform_indices = @transform_0, window_bounds = array<i64: 260, 2048>}, {pipeline_mode = #tpu.pipeline_mode<synchronous>, transform_indices = @transform_1, window_bounds = array<i64: 260, 64>}, {transform_indices = @transform_2, window_bounds = array<i64: 2048, 3>}, {pipeline_mode = #tpu.pipeline_mode<synchronous>, transform_indices = @transform_3, window_bounds = array<i64: 64, 64>}, {pipeline_mode = #tpu.pipeline_mode<synchronous>, transform_indices = @transform_4, window_bounds = array<i64: 3, 64>}, {pipeline_mode = #tpu.pipeline_mode<synchronous>, transform_indices = @transform_5, window_bounds = array<i64: 64>}, {pipeline_mode = #tpu.pipeline_mode<synchronous>, transform_indices = @transform_6, window_bounds = array<i64: 2, 64>}, {pipeline_mode = #tpu.pipeline_mode<synchronous>, transform_indices = @transform_7, window_bounds = array<i64: 2>}, {transform_indices = @transform_8, window_bounds = array<i64: 2, 2048>}]} {
    %get3A = arith.constant 0 : index
    %get3A_0 = arith.constant 0 : index
    %get3A_1 = vector.load %arg1[%get3A, %get3A_0] : memref<260x2048xf32, #tpu.memory_space<vmem>>, vector<260x2048xf32>
    %get3A_2 = arith.constant 0 : index
    %get3A_3 = arith.constant 0 : index
    %get3A_4 = vector.load %arg2[%get3A_2, %get3A_3] : memref<260x64xf32, #tpu.memory_space<vmem>>, vector<260x64xf32>
    "tpu.trace_start"() <{level = 10 : i32, message = "cb,cd->bd"}> : () -> ()
    %dot_general3A = arith.constant dense<0.000000e+00> : vector<2048x64xf32>
    %dot_general3A_5 = tpu.matmul %get3A_1, %get3A_4, %dot_general3A {dimension_numbers = #tpu.dot_dimension_numbers<[0], [0], [1], [1], [0, 1, 1, 1], [], []>, transpose_lhs_hint = true} : vector<260x2048xf32>, vector<260x64xf32>, vector<2048x64xf32> -> vector<2048x64xf32>
    "tpu.trace_stop"() : () -> ()
    %mul3A = arith.constant 5.000000e-03 : f32
    %mul3A_6 = vector.broadcast %mul3A : f32 to vector<2048x64xf32>
    %mul3A_7 = arith.mulf %dot_general3A_5, %mul3A_6 : vector<2048x64xf32>
    %get3A_8 = arith.constant 0 : index
    %get3A_9 = arith.constant 0 : index
    %get3A_10 = vector.load %arg4[%get3A_8, %get3A_9] : memref<64x64xf32, #tpu.memory_space<vmem>>, vector<64x64xf32>
    %dot_general3A_11 = arith.constant dense<0.000000e+00> : vector<2048x64xf32>
    %dot_general3A_12 = tpu.matmul %mul3A_7, %get3A_10, %dot_general3A_11 {dimension_numbers = #tpu.dot_dimension_numbers<[1], [0], [0], [1], [0, 0, 1, 1], [], []>, transpose_lhs_hint = false} : vector<2048x64xf32>, vector<64x64xf32>, vector<2048x64xf32> -> vector<2048x64xf32>
    %get3A_13 = arith.constant 0 : index
    %get3A_14 = arith.constant 0 : index
    %get3A_15 = vector.load %arg3[%get3A_13, %get3A_14] : memref<2048x3xf32, #tpu.memory_space<vmem>>, vector<2048x3xf32>
    %get3A_16 = arith.constant 0 : index
    %get3A_17 = arith.constant 0 : index
    %get3A_18 = vector.load %arg5[%get3A_16, %get3A_17] : memref<3x64xf32, #tpu.memory_space<vmem>>, vector<3x64xf32>
    %dot_general3A_19 = arith.constant dense<0.000000e+00> : vector<2048x64xf32>
    %dot_general3A_20 = tpu.matmul %get3A_15, %get3A_18, %dot_general3A_19 {dimension_numbers = #tpu.dot_dimension_numbers<[1], [0], [0], [1], [0, 0, 1, 1], [], []>, transpose_lhs_hint = false} : vector<2048x3xf32>, vector<3x64xf32>, vector<2048x64xf32> -> vector<2048x64xf32>
    %add3A = arith.addf %dot_general3A_12, %dot_general3A_20 : vector<2048x64xf32>
    %get3A_21 = arith.constant 0 : index
    %get3A_22 = vector.load %arg6[%get3A_21] : memref<64xf32, #tpu.memory_space<vmem>>, vector<64xf32>
    %broadcast_in_dim3A = vector.shape_cast %get3A_22 : vector<64xf32> to vector<1x64xf32>
    %add3A_23 = vector.broadcast %broadcast_in_dim3A : vector<1x64xf32> to vector<2048x64xf32>
    %add3A_24 = arith.addf %add3A, %add3A_23 : vector<2048x64xf32>
    %max3A = arith.constant 0.000000e+00 : f32
    %max3A_25 = vector.broadcast %max3A : f32 to vector<2048x64xf32>
    %max3A_26 = arith.maximumf %add3A_24, %max3A_25 : vector<2048x64xf32>
    %get3A_27 = arith.constant 0 : index
    %get3A_28 = arith.constant 0 : index
    %get3A_29 = vector.load %arg7[%get3A_27, %get3A_28] : memref<2x64xf32, #tpu.memory_space<vmem>>, vector<2x64xf32>
    "tpu.trace_start"() <{level = 10 : i32, message = "ed,bd->eb"}> : () -> ()
    %dot_general3A_30 = arith.constant dense<0.000000e+00> : vector<2x2048xf32>
    %dot_general3A_31 = tpu.matmul %get3A_29, %max3A_26, %dot_general3A_30 {dimension_numbers = #tpu.dot_dimension_numbers<[1], [1], [0], [0], [0, 0, 1, 0], [], []>, transpose_lhs_hint = false} : vector<2x64xf32>, vector<2048x64xf32>, vector<2x2048xf32> -> vector<2x2048xf32>
    "tpu.trace_stop"() : () -> ()
    %get3A_32 = arith.constant 0 : index
    %get3A_33 = vector.load %arg8[%get3A_32] : memref<2xf32, #tpu.memory_space<vmem>>, vector<2xf32>
    %broadcast_in_dim3A_34 = vector.shape_cast %get3A_33 : vector<2xf32> to vector<2x1xf32>
    %add3A_35 = vector.broadcast %broadcast_in_dim3A_34 : vector<2x1xf32> to vector<2x2048xf32>
    %add3A_36 = arith.addf %dot_general3A_31, %add3A_35 : vector<2x2048xf32>
    %swap3A = arith.constant 0 : index
    %swap3A_37 = arith.constant 0 : index
    %swap3A_38 = vector.load %arg9[%swap3A, %swap3A_37] : memref<2x2048xf32, #tpu.memory_space<vmem>>, vector<2x2048xf32>
    tpu.vector_store %arg9[%swap3A, %swap3A_37], %add3A_36 {strides = array<i32>} : memref<2x2048xf32, #tpu.memory_space<vmem>>, vector<2x2048xf32>,
    return
  }
  func.func @transform_0(%arg0: i32) -> (i32, i32) {
    %c0_i32 = arith.constant 0 : i32
    %c0_i32_0 = arith.constant 0 : i32
    return %c0_i32, %arg0 : i32, i32
  }
  func.func @transform_1(%arg0: i32) -> (i32, i32) {
    %c0_i32 = arith.constant 0 : i32
    %c0_i32_0 = arith.constant 0 : i32
    %c0_i32_1 = arith.constant 0 : i32
    return %c0_i32, %c0_i32_0 : i32, i32
  }
  func.func @transform_2(%arg0: i32) -> (i32, i32) {
    %c0_i32 = arith.constant 0 : i32
    %c0_i32_0 = arith.constant 0 : i32
    return %arg0, %c0_i32 : i32, i32
  }
  func.func @transform_3(%arg0: i32) -> (i32, i32) {
    %c0_i32 = arith.constant 0 : i32
    %c0_i32_0 = arith.constant 0 : i32
    %c0_i32_1 = arith.constant 0 : i32
    return %c0_i32, %c0_i32_0 : i32, i32
  }
  func.func @transform_4(%arg0: i32) -> (i32, i32) {
    %c0_i32 = arith.constant 0 : i32
    %c0_i32_0 = arith.constant 0 : i32
    %c0_i32_1 = arith.constant 0 : i32
    return %c0_i32, %c0_i32_0 : i32, i32
  }
  func.func @transform_5(%arg0: i32) -> i32 {
    %c0_i32 = arith.constant 0 : i32
    %c0_i32_0 = arith.constant 0 : i32
    return %c0_i32 : i32
  }
  func.func @transform_6(%arg0: i32) -> (i32, i32) {
    %c0_i32 = arith.constant 0 : i32
    %c0_i32_0 = arith.constant 0 : i32
    %c0_i32_1 = arith.constant 0 : i32
    return %c0_i32, %c0_i32_0 : i32, i32
  }
  func.func @transform_7(%arg0: i32) -> i32 {
    %c0_i32 = arith.constant 0 : i32
    %c0_i32_0 = arith.constant 0 : i32
    return %c0_i32 : i32
  }
  func.func @transform_8(%arg0: i32) -> (i32, i32) {
    %c0_i32 = arith.constant 0 : i32
    %c0_i32_0 = arith.constant 0 : i32
    return %c0_i32, %arg0 : i32, i32
  }
}

</mosaic_0001>

<sc_bundles>
// kernel: kernel.5.cloned.1.call-start
scs
__scs_entry_jumppad:
0x0: {  	(pc) =	sbr.rel $0x88, $3  }
0x1: {  	(tag) =	ssettag $0x0;
	lr =	simm.s32 $0x1  }
0x2: {  	[smem:$0x3F96] =	sst lr;
	_ =	strace $0xD0000000  }
0x3: {  	_ = 	snop  }
0x4: {  	_ = 	snop  }
0x5: {  	_ = 	snop  }
0x6: {  	_ = 	snop  }
0x7: {  	_ = 	snop  }
__scs_overlays_trampoline_lowered:
0x8: {  	[smem:$0x3FA5] =	sst s0  }
0x9: {  	[smem:$0x3FA6] =	sst s1  }
0xa: {  	[smem:$0x3FA7] =	sst s2  }
0xb: {  	[smem:$0x3FA8] =	sst s3  }
0xc: {  	[smem:$0x3FA9] =	sst s4  }
0xd: {  	[smem:$0x3FAA] =	sst s5  }
0xe: {  	[smem:$0x3FAB] =	sst s6  }
0xf: {  	[smem:$0x3FAC] =	sst s7  }
0x10: {  	[smem:$0x3FAD] =	sst s8  }
0x11: {  	[smem:$0x3FAE] =	sst s9;
	s0 =	simm.s32 @!p0 $0x0  }
0x12: {  	s1 =	sld [smem:$0x3F94];
	s0 =	simm.s32 @p0 $0x1  }
0x13: {  	[smem:$0x3FAF] =	sst s0;
	s0 =	simm.s32 @!p1 $0x0  }
0x14: {  	s2 =	sld [smem:$0x3F93];
	s0 =	simm.s32 @p1 $0x1  }
0x15: {  	[smem:$0x3FB0] =	sst s0;
	s0 =	simm.s32 @!p2 $0x0  }
0x16: {  	s3 =	sld [smem:$0x3FDB];
	s0 =	simm.s32 @p2 $0x1  }
0x17: {  	s4 =	simm.s32 $0x1BF5;
	[smem:$0x3FB2] =	sst s0  }
0x18: {  	s0 =	sld [smem:$0x3F95];
	_ =	swait.ge [sflag:s4], $0x0  }
0x19: {  	s7 =	sld [smem:$0x3F96]  }
0x1a: {  	s8 =	sadd.s32 $0xFFFFE003, lr  }
0x1b: {  	s9 =	sadd.s32 $0xFFFFFEF7, lr;
	s5 =	simm.s32 $0xFFFFFFFF;
	p2 =	slt.u32 s8, $0xFFFFF086  }
0x1c: {  	p1 =	slt.u32 s9, $0xF7A;
	s5 =	simm.s32 @!p2 $0x0  }
0x1d: {  	s5 =	simm.s32 @p1 $0x1;
	p0 =	seq.s32 s7, s2  }
0x1e: {  	s7 =	smul.u32 @!p0 $0xF7A, s2;
	p2 =	seq.s32 @!p0 s5, $0x0  }
0x1f: {  	s9 =	smul.u32 $0xF7A, s1;
	s8 =	simm.s32 @!p0 $0x1BF5;
	p2 =	por !p2, p0  }
0x20: {  	[sflag:s8] =	ssyncset.s32 @!p0 $0xFFFFF086;
	s6 =	sadd.s32 @!p0 s3, s7;
	s7 =	simm.s32 @!p0 $0x108  }
0x21: {  	s3 =	sadd.s32 s3, s9;
	s6 =	sadd.s32 @!p0 $0x88, s6;
	s7 =	simm.s32 @p2 $0x1082  }
0x22: {  	[simem:s7], [sflag:s8] =	dma.local @!p0 [hbm:s6], $0xF7A  }
0x23: {  	s9 =	sor.u32 $0xD0000000, s2;
	s6 =	simm.s32 $0x108;
	_ =	swait.ge @!p0 [sflag:s8], $0x0  }
0x24: {  	s3 =	sadd.s32 $0x88, s3;
	s6 =	simm.s32 @!p1 $0x1082;
	[sflag:s4] =	ssyncset.s32 $0xFFFFF086  }
0x25: {  	[simem:s6], [sflag:s4] =	dma.local [hbm:s3], $0xF7A  }
0x26: {  	[smem:$0x3F96] =	sst s1;
	(tag) =	ssettag s2;
	_ =	strace s9  }
0x27: {  	s1 =	sld [smem:$0x3FA6]  }
0x28: {  	s2 =	sld [smem:$0x3FA7]  }
0x29: {  	s4 =	sld [smem:$0x3FA9]  }
0x2a: {  	p0 =	seq.s32 s5, $0x0;
	s5 =	sld [smem:$0x3FAA]  }
0x2b: {  	s6 =	sld [smem:$0x3FAB]  }
0x2c: {  	s7 =	sld [smem:$0x3FAC]  }
0x2d: {  	s3 =	simm.s32 $0x108;
	s8 =	sld [smem:$0x3FAD]  }
0x2e: {  	s3 =	simm.s32 @!p0 $0x1082;
	s9 =	sld [smem:$0x3FAE]  }
0x2f: {  	lr =	sadd.s32 s0, s3;
	s0 =	sld [smem:$0x3FA5]  }
0x30: {  	s3 =	sld [smem:$0x3FA8]  }
0x31: {  	[smem:$0x3FB1] =	sst s10  }
0x32: {  	s10 =	sld [smem:$0x3FAF];
	_ =	sdelay $0x3  }
0x33: {  	p0 =	seq.s32 s10, $0x1;
	s10 =	sld [smem:$0x3FB1];
	_ =	sdelay $0x3  }
0x34: {  	[smem:$0x3FB1] =	sst s10  }
0x35: {  	s10 =	sld [smem:$0x3FB0];
	_ =	sdelay $0x3  }
0x36: {  	p1 =	seq.s32 s10, $0x1;
	s10 =	sld [smem:$0x3FB1];
	_ =	sdelay $0x3  }
0x37: {  	[smem:$0x3FB1] =	sst s10  }
0x38: {  	s10 =	sld [smem:$0x3FB2]  }
0x39: {  	_ = 	snop;
	(pc) =	sbr.ind lr, $3  }
0x3a: {  	_ = 	snop  }
0x3b: {  	_ = 	snop  }
0x3c: {  	p2 =	seq.s32 s10, $0x1;
	s10 =	sld [smem:$0x3FB1]  }
0x3d: {  	_ =	shalt  }
0x3e: {  	_ =	shalt  }
0x3f: {  	_ =	shalt  }
0x40: {  	_ =	shalt  }
0x41: {  	_ =	shalt  }
0x42: {  	_ =	shalt  }
0x43: {  	_ =	shalt  }
0x44: {  	_ =	shalt  }
0x45: {  	_ =	shalt  }
0x46: {  	_ =	shalt  }
0x47: {  	_ =	shalt  }
0x48: {  	_ =	shalt  }
0x49: {  	_ =	shalt  }
0x4a: {  	_ =	shalt  }
0x4b: {  	_ =	shalt  }
0x4c: {  	_ =	shalt  }
0x4d: {  	_ =	shalt  }
0x4e: {  	_ =	shalt  }
0x4f: {  	_ =	shalt  }
0x50: {  	_ =	shalt  }
0x51: {  	_ =	shalt  }
0x52: {  	_ =	shalt  }
0x53: {  	_ =	shalt  }
0x54: {  	_ =	shalt  }
0x55: {  	_ =	shalt  }
0x56: {  	_ =	shalt  }
0x57: {  	_ =	shalt  }
0x58: {  	_ =	shalt  }
0x59: {  	_ =	shalt  }
0x5a: {  	_ =	shalt  }
0x5b: {  	_ =	shalt  }
0x5c: {  	_ =	shalt  }
0x5d: {  	_ =	shalt  }
0x5e: {  	_ =	shalt  }
0x5f: {  	_ =	shalt  }
0x60: {  	_ =	shalt  }
0x61: {  	_ =	shalt  }
0x62: {  	_ =	shalt  }
0x63: {  	_ =	shalt  }
0x64: {  	_ =	shalt  }
0x65: {  	_ =	shalt  }
0x66: {  	_ =	shalt  }
0x67: {  	_ =	shalt  }
0x68: {  	_ =	shalt  }
0x69: {  	_ =	shalt  }
0x6a: {  	_ =	shalt  }
0x6b: {  	_ =	shalt  }
0x6c: {  	_ =	shalt  }
0x6d: {  	_ =	shalt  }
0x6e: {  	_ =	shalt  }
0x6f: {  	_ =	shalt  }
0x70: {  	_ =	shalt  }
0x71: {  	_ =	shalt  }
0x72: {  	_ =	shalt  }
0x73: {  	_ =	shalt  }
0x74: {  	_ =	shalt  }
0x75: {  	_ =	shalt  }
0x76: {  	_ =	shalt  }
0x77: {  	_ =	shalt  }
0x78: {  	_ =	shalt  }
0x79: {  	_ =	shalt  }
0x7a: {  	_ =	shalt  }
0x7b: {  	_ =	shalt  }
0x7c: {  	_ =	shalt  }
0x7d: {  	_ =	shalt  }
0x7e: {  	_ =	shalt  }
0x7f: {  	_ =	shalt  }
0x80: {  	_ =	shalt  }
0x81: {  	_ =	shalt  }
0x82: {  	_ =	shalt  }
0x83: {  	_ =	shalt  }
0x84: {  	_ =	shalt  }
0x85: {  	_ =	shalt  }
0x86: {  	_ =	shalt  }
0x87: {  	_ =	shalt  }
.Lfunc_end0:
.L_simem_size_0:
called_computation_lowered:
.L_overlay_start_0:
0x88: {  	s2 =	sld [smem:$0x3FD9]  }
0x89: {  	s3 =	sld [smem:$0x3FFE];
	_ =	sdelay $0x1  }
0x8a: {  	s1 =	srdreg.scid  }
0x8b: {  	s0 =	sand.u32 $0x1, s1  }
0x8c: {  	s17 =	sshll.u32 s0, $0xA;
	s2 =	sadd.s32 s3, s2  }
0x8d: {  	s2 =	sadd.s32 s2, s17  }
0x8e: {  	[smem:$0x3FBD] =	sst s2  }
0x8f: {  	_ = 	snop  }
0x90: {  	s2 =	sld [smem:$0x3FC9]  }
0x91: {  	s18 =	sld [smem:$0x3FC8];
	(tm) =	ssettm $0x1  }
0x92: {  	s4 =	sld [smem:$0x3FFB];
	_ =	sdelay $0x3  }
0x93: {  	_ =	strace s4  }
0x94: {  	s4 =	sld [smem:$0x3FFC];
	_ =	sdelay $0x3  }
0x95: {  	_ =	strace s4  }
0x96: {  	s4 =	sld [smem:$0x3FFD];
	_ =	sdelay $0x3  }
0x97: {  	_ =	strace s4  }
0x98: {  	_ =	strace $0x8FFFFFFF  }
0x99: {  	s19 =	sld [smem:$0x3FDB];
	_ =	sdelay $0x1  }
0x9a: {  	s5 =	simm.s32 $_scs_section_size  }
0x9b: {  	s6 =	simm.s32 $_size__tile_overlayer_lowered;
	s7 =	simm.s32 $_tile_overlayer_lowered  }
0x9c: {  	s22 =	simm.s32 $0x1BFF;
	s21 =	sshll.u32 s7, $0x1;
	s4 =	sadd.s32 s5, s19  }
0x9d: {  	s8 =	simm.s32 $0x0;
	s20 =	sshll.u32 s6, $0x1;
	s6 =	sadd.s32 s21, s4  }
0x9e: {  	[timem:s8], [sflag:s22] =	dma.local [hbm:s6], s20  }
0x9f: {  	_ =	swait.ge [sflag:s22], s20  }
0xa0: {  	s5 =	ssub.s32 $0x0, s20;
	[sflag:s22] =	ssyncset.done $0x0  }
0xa1: {  	[sflag:s22] =	ssyncadd.s32 s5;
	_ =	sdelay $0x1  }
0xa2: {  	s23 =	simm.s32 $0x1B8B  }
0xa3: {  	_ =	swait.ge [sflag:s23], $0x1  }
0xa4: {  	[sflag:s23] =	ssyncset.done $0x0  }
0xa5: {  	s25 =	simm.s32 $0x1B8E;
	s24 =	sld [smem:$0x3FFE];
	[sflag:s23] =	ssyncadd.s32 $0xFFFFFFFF  }
0xa6: {  	s26 =	simm.s32 $execute0_lowered;
	[smem:$0x3FD2] =	sst s25  }
0xa7: {  	s6 =	sshll.u32 s26, $0x1;
	_ =	strace $0x80000046;
	[dreg:$0x1] =	wrdreg $0xFFFFFFFF  }
0xa8: {  	s28 =	simm.s32 $_size_execute0_lowered;
	s4 =	sadd.s32 s4, s6;
	[dreg:$0x0] =	wrdreg $0x0  }
0xa9: {  	s6 =	sshll.u32 s28, $0x1;
	[dreg:$0x2] =	wrdreg s4  }
0xaa: {  	[dreg:$0x3] =	wrdreg s6  }
0xab: {  	[dreg:$0x4] =	wrdreg $0xC0  }
0xac: {  	_ =	task [dreg:s8], $0x5FFFF  }
0xad: {  	[dreg:$0x1] =	wrdreg $0xFFFFFFFF  }
0xae: {  	[dreg:$0x0] =	wrdreg $0x60  }
0xaf: {  	[dreg:$0x2] =	wrdreg s2  }
0xb0: {  	[dreg:$0x3] =	wrdreg s18  }
0xb1: {  	[dreg:$0x4] =	wrdreg s24  }
0xb2: {  	[dreg:$0x5] =	wrdreg $0x9  }
0xb3: {  	_ =	task.clear_ibuf [dreg:s8], $0x6FFFF;
	_ =	strace $0x90000046  }
0xb4: {  	s29 =	simm.s32 $0x9;
	_ =	strace $0x80000048  }
0xb5: {  	_ =	swait.ge [sflag:s29], $0x1  }
0xb6: {  	[sflag:s29] =	ssyncadd.s32 $0xFFFFFFFF  }
0xb7: {  	_ =	strace $0x90000048  }
0xb8: {  	_ =	sfence  }
0xb9: {  	s30 =	sld [smem:$0x0];
	_ =	sdelay $0x2  }
0xba: {  	s31 =	sshll.u32 s1, $0xD;
	s1 =	sshrl.u32 s1, $0x2  }
0xbb: {  	s3 =	sand.u32 $0x4000, s31;
	s1 =	sadd.s32 s1, s30  }
0xbc: {  	s0 =	sor.u32 s3, s0;
	s1 =	sshll.u32 s1, $0x11  }
0xbd: {  	s0 =	sor.u32 s1, s0  }
0xbe: {  	s0 =	sadd.s32 $0x8F2B, s0  }
0xbf: {  	[sflag:s0] =	ssyncadd.remote.s32 $0x1  }
0xc0: {  	_ =	sfence.sel $0xFFFF  }
0xc1: {  	[dreg:$0x0] =	wrdreg $0xFFFFFFFF;
	(pc) =	sbr.abs _section_cstart, $3  }
0xc2: {  	[dreg:$0x1] =	wrdreg $0xFFFFFFFF  }
0xc3: {  	_ =	task.clear_ibuf [dreg:s8], $0x2FFFF;
	_ =	strace $0x9FFFFFFF  }
0xc4: {  	(tm) =	ssettm $0x7FFFFFFF  }
0xc5: {  	_ =	shalt  }
tec
execute0_lowered:
.L_overlay_start_1:
0x0: {  	(tag) =	ssettag $0x1  }
0x1: {  	s3 =	rddreg [dreg:$0x0]  }
0x2: {  	s4 =	rddreg [dreg:$0x1]  }
0x3: {  	s5 =	rddreg [dreg:$0x2]  }
0x4: {  	s0 =	rddreg [dreg:$0x3];
	s2 =	simm.s32 $0x0;
	s6 =	srdreg.scid  }
0x5: {  	s1 =	stileid.u32;
	s9 =	simm.s32 $0x6400;
	s10 =	simm.s32 $0x1  }
0x6: {  	s11 =	simm.s32 $0x2;
	s12 =	simm.s32 $0xC800;
	s13 =	simm.s32 $0x14800  }
0x7: {  	s14 =	simm.s32 $0x3;
	s15 =	simm.s32 $0x0;
	s6 =	sand.u32 $0x1, s6  }
0x8: {  	[smem:$0x7FF] =	sst s2;
	s7 =	sshll.u32 s1, $0x8;
	s8 =	sshll.u32 s6, $0x7  }
0x9: {  	s6 =	ssub.s32 $0x2, s6;
	_ =	strace $0x80000047;
	s7 =	sor.u32 s8, s7  }
0xa: {  	s31 =	sshrl.u32 s6, $0x1;
	s8 =	simm.s32 $0x8000;
	s5 =	sadd.s32 s7, s5  }
0xb: {  	s6 =	ssub.s32 s6, s31;
	s3 =	sadd.s32 s3, s7;
	s4 =	sadd.s32 s4, s7  }
0xc: {  	v0 =	vimm.f32 $0.0e+00;
	v1 =	vlaneseq.u32;
	v2 =	vimm.f32 $1.000000000e+00;
	s7 =	simm.s32 $0x400;
	s5 =	sadd.s32 $0x1800, s5;
	s6 =	smax.u32 s6, $0x1  }
.LBB2_1:
0xd: {  	[tilespmem:s2], [sflag:$0x1] =	stream.strided.gather [hbm4b:s3+s7], $0x6400, s8, s7, $0x38;
	[tilespmem:$0x14C00] =	vst v63  }
0xe: {  	s16 =	simm.s32 $0xC900  }
0xf: {  	[tilespmem:s9], [sflag:$0x2] =	stream.strided.gather [hbm4b:s4+s7], $0x6400, s8, s7, $0x38;
	[tilespmem:$0x14C00] =	vst v63  }
0x10: {  	[tilespmem:s16+$0xFFFFFF00] =	vst v0  }
0x11: {  	[tilespmem:s16+$0xF0] =	vst v0  }
0x12: {  	[tilespmem:s16+$0xE0] =	vst v0  }
0x13: {  	[tilespmem:s16+$0xD0] =	vst v0  }
0x14: {  	[tilespmem:s16+$0xC0] =	vst v0  }
0x15: {  	[tilespmem:s16+$0xB0] =	vst v0  }
0x16: {  	[tilespmem:s16+$0xA0] =	vst v0  }
0x17: {  	[tilespmem:s16+$0x90] =	vst v0  }
0x18: {  	[tilespmem:s16+$0x80] =	vst v0  }
0x19: {  	[tilespmem:s16+$0x70] =	vst v0  }
0x1a: {  	[tilespmem:s16+$0x60] =	vst v0  }
0x1b: {  	[tilespmem:s16+$0x50] =	vst v0  }
0x1c: {  	[tilespmem:s16+$0x40] =	vst v0  }
0x1d: {  	[tilespmem:s16+$0x30] =	vst v0  }
0x1e: {  	[tilespmem:s16+$0x20] =	vst v0  }
0x1f: {  	[tilespmem:s16+$0x10] =	vst v0  }
0x20: {  	[tilespmem:s16+$0x0] =	vst v0  }
0x21: {  	[tilespmem:s16+$0xFFFFFFF0] =	vst v0  }
0x22: {  	[tilespmem:s16+$0xFFFFFFE0] =	vst v0  }
0x23: {  	[tilespmem:s16+$0xFFFFFFD0] =	vst v0  }
0x24: {  	[tilespmem:s16+$0xFFFFFFC0] =	vst v0  }
0x25: {  	[tilespmem:s16+$0xFFFFFFB0] =	vst v0  }
0x26: {  	[tilespmem:s16+$0xFFFFFFA0] =	vst v0  }
0x27: {  	[tilespmem:s16+$0xFFFFFF90] =	vst v0  }
0x28: {  	[tilespmem:s16+$0xFFFFFF80] =	vst v0  }
0x29: {  	[tilespmem:s16+$0xFFFFFF70] =	vst v0  }
0x2a: {  	[tilespmem:s16+$0xFFFFFF60] =	vst v0  }
0x2b: {  	[tilespmem:s16+$0xFFFFFF50] =	vst v0  }
0x2c: {  	[tilespmem:s16+$0xFFFFFF40] =	vst v0  }
0x2d: {  	[tilespmem:s16+$0xFFFFFF30] =	vst v0  }
0x2e: {  	s17 =	simm.s32 $0x0;
	[tilespmem:s16+$0xFFFFFF20] =	vst v0  }
.LBB2_2:
0x2f: {  	s17 =	sadd.s32 $0x4, s17;
	[tilespmem:s16+$0xFFFFFF10] =	vst v0;
	s16 =	sadd.s32 $0x200, s16  }
0x30: {  	[tilespmem:s16+$0xFFFFFF00] =	vst v0;
	p0 =	slt.u32 s17, $0x100  }
0x31: {  	[tilespmem:s16+$0xF0] =	vst v0  }
0x32: {  	[tilespmem:s16+$0xE0] =	vst v0  }
0x33: {  	[tilespmem:s16+$0xD0] =	vst v0  }
0x34: {  	[tilespmem:s16+$0xC0] =	vst v0  }
0x35: {  	[tilespmem:s16+$0xB0] =	vst v0  }
0x36: {  	[tilespmem:s16+$0xA0] =	vst v0  }
0x37: {  	[tilespmem:s16+$0x90] =	vst v0  }
0x38: {  	[tilespmem:s16+$0x80] =	vst v0  }
0x39: {  	[tilespmem:s16+$0x70] =	vst v0  }
0x3a: {  	[tilespmem:s16+$0x60] =	vst v0  }
0x3b: {  	[tilespmem:s16+$0x50] =	vst v0  }
0x3c: {  	[tilespmem:s16+$0x40] =	vst v0  }
0x3d: {  	[tilespmem:s16+$0x30] =	vst v0  }
0x3e: {  	[tilespmem:s16+$0x20] =	vst v0  }
0x3f: {  	[tilespmem:s16+$0x10] =	vst v0  }
0x40: {  	[tilespmem:s16+$0x0] =	vst v0  }
0x41: {  	[tilespmem:s16+$0xFFFFFFF0] =	vst v0  }
0x42: {  	[tilespmem:s16+$0xFFFFFFE0] =	vst v0  }
0x43: {  	[tilespmem:s16+$0xFFFFFFD0] =	vst v0  }
0x44: {  	[tilespmem:s16+$0xFFFFFFC0] =	vst v0  }
0x45: {  	[tilespmem:s16+$0xFFFFFFB0] =	vst v0  }
0x46: {  	[tilespmem:s16+$0xFFFFFFA0] =	vst v0  }
0x47: {  	[tilespmem:s16+$0xFFFFFF90] =	vst v0  }
0x48: {  	[tilespmem:s16+$0xFFFFFF80] =	vst v0  }
0x49: {  	[tilespmem:s16+$0xFFFFFF70] =	vst v0  }
.Ltmp0:
0x4a: {  	[tilespmem:s16+$0xFFFFFF60] =	vst v0;
	(pc) =	sbr.rel @p0 .LBB2_2-.Ltmp0, $4  }
0x4b: {  	[tilespmem:s16+$0xFFFFFF50] =	vst v0  }
0x4c: {  	[tilespmem:s16+$0xFFFFFF40] =	vst v0  }
0x4d: {  	[tilespmem:s16+$0xFFFFFF30] =	vst v0  }
0x4e: {  	[tilespmem:s16+$0xFFFFFF20] =	vst v0  }
0x4f: {  	[tilespmem:s16+$0xFFFFFF10] =	vst v0  }
0x50: {  	_ =	swait.ge [sflag:s10], $0x6400  }
0x51: {  	[sflag:s10] =	ssyncset.done $0x0  }
0x52: {  	[sflag:s10] =	ssyncadd.s32 $0xFFFF9C00  }
0x53: {  	s16 =	simm.s32 $0x0;
	_ =	swait.ge [sflag:s11], $0x6400  }
0x54: {  	s17 =	simm.s32 $0x6800;
	s18 =	simm.s32 $0x400;
	[sflag:s11] =	ssyncset.done $0x0  }
0x55: {  	s19 =	simm.s32 $0xC400;
	s20 =	simm.s32 $0x6000;
	[sflag:s11] =	ssyncadd.s32 $0xFFFF9C00  }
.LBB2_4:
0x56: {  	v3 =	vld [tilespmem:s18+$0x380]  }
0x57: {  	v4 =	vld [tilespmem:s18+$0xFFFFFC80]  }
0x58: {  	v5 =	vld [tilespmem:s17+$0x380]  }
0x59: {  	v6 =	vld [tilespmem:s18+$0xFFFFFD00]  }
0x5a: {  	v7 =	vld [tilespmem:s18+$0xFFFFFD80]  }
0x5b: {  	v8 =	vld [tilespmem:s18+$0xFFFFFE00]  }
0x5c: {  	v9 =	vld [tilespmem:s18+$0xFFFFFE80]  }
0x5d: {  	v10 =	vld [tilespmem:s18+$0xFFFFFF00]  }
0x5e: {  	v11 =	vld [tilespmem:s18+$0xFFFFFF80]  }
0x5f: {  	v12 =	vld [tilespmem:s18+$0x0]  }
0x60: {  	v13 =	vld [tilespmem:s18+$0x80]  }
0x61: {  	v14 =	vld [tilespmem:s18+$0xFFFFFC00]  }
0x62: {  	v15 =	vld [tilespmem:s18+$0x100]  }
0x63: {  	v16 =	vld [tilespmem:s17+$0xFFFFFC00]  }
0x64: {  	v17 =	vld [tilespmem:s18+$0x180]  }
0x65: {  	v18 =	vld [tilespmem:s18+$0x200]  }
0x66: {  	v47 =	vld [tilespmem:s18+$0x280]  }
0x67: {  	v19 =	vld [tilespmem:s18+$0x300]  }
0x68: {  	v48 =	vld [tilespmem:s17+$0xFFFFFC80]  }
0x69: {  	v20 =	vld [tilespmem:s17+$0xFFFFFD00]  }
0x6a: {  	v21 =	vld [tilespmem:s17+$0xFFFFFD80];
	v3 =	vmul.u32 $0xA, v3;
	v4 =	vmul.u32 $0xA, v4  }
0x6b: {  	v22 =	vld [tilespmem:s17+$0xFFFFFE00];
	v6 =	vmul.u32 $0xA, v6;
	v7 =	vmul.u32 $0xA, v7;
	v8 =	vmul.u32 $0xA, v8  }
0x6c: {  	s21 =	sshll.u32 s16, $0x4;
	v23 =	vld [tilespmem:s17+$0xFFFFFE80];
	v9 =	vmul.u32 $0xA, v9;
	v10 =	vmul.u32 $0xA, v10;
	v5 =	vadd.s32 v5, v3  }
0x6d: {  	v24 =	vld [tilespmem:s17+$0xFFFFFF00];
	v11 =	vmul.u32 $0xA, v11;
	v3 =	vor.u32 s21, v1;
	v5 =	vshll.u32 v5, $0x7  }
0x6e: {  	v51 =	vld [tilespmem:s17+$0xFFFFFF80];
	v12 =	vmul.u32 $0xA, v12;
	v49 =	vmul.u32 $0xA, v15;
	v5 =	vadd.s32 v3, v5  }
0x6f: {  	v52 =	vld [tilespmem:s17+$0x0];
	v50 =	vmul.u32 $0xA, v17;
	v18 =	vmul.u32 $0xA, v18;
	v19 =	vmul.u32 $0xA, v19  }
0x70: {  	v53 =	vld [tilespmem:s17+$0x80];
	v4 =	vadd.s32 v48, v4;
	v6 =	vadd.s32 v20, v6;
	v7 =	vadd.s32 v21, v7  }
0x71: {  	v54 =	vld [tilespmem:s17+$0x100];
	v8 =	vadd.s32 v22, v8;
	v9 =	vadd.s32 v23, v9;
	v4 =	vshll.u32 v4, $0x7  }
0x72: {  	v55 =	vld [tilespmem:s17+$0x180];
	v10 =	vadd.s32 v24, v10;
	v6 =	vshll.u32 v6, $0x7;
	v4 =	vadd.s32 v3, v4  }
0x73: {  	v7 =	vshll.u32 v7, $0x7;
	v6 =	vadd.s32 v3, v6;
	[tilespmem:v5+s12+$0x0] =	vst.idx.add.f32.msk $0xffff, v2;
	v5 =	vmul.u32 $0xA, v14  }
0x74: {  	v56 =	vld [tilespmem:s17+$0x200];
	v11 =	vadd.s32 v51, v11;
	v8 =	vshll.u32 v8, $0x7;
	v7 =	vadd.s32 v3, v7  }
0x75: {  	v57 =	vld [tilespmem:s17+$0x280];
	v9 =	vshll.u32 v9, $0x7;
	v8 =	vadd.s32 v3, v8;
	v5 =	vadd.s32 v16, v5  }
0x76: {  	v58 =	vld [tilespmem:s17+$0x300];
	v12 =	vadd.s32 v52, v12;
	v9 =	vadd.s32 v3, v9;
	v5 =	vshll.u32 v5, $0x7  }
0x77: {  	v59 =	vadd.s32 v54, v49;
	v10 =	vshll.u32 v10, $0x7;
	[tilespmem:v4+s12+$0x0] =	vst.idx.add.f32.msk $0xffff, v2;
	v5 =	vadd.s32 v3, v5  }
0x78: {  	v60 =	vadd.s32 v55, v50;
	v11 =	vshll.u32 v11, $0x7;
	v10 =	vadd.s32 v3, v10;
	[tilespmem:v6+s12+$0x0] =	vst.idx.add.f32.msk $0xffff, v2  }
0x79: {  	v61 =	vadd.s32 v56, v18;
	v11 =	vadd.s32 v3, v11;
	v4 =	vshll.u32 v12, $0x7;
	[tilespmem:v7+s12+$0x0] =	vst.idx.add.f32.msk $0xffff, v2  }
0x7a: {  	v14 =	vmul.u32 $0xA, v47;
	v6 =	vshll.u32 v59, $0x7;
	[tilespmem:v8+s12+$0x0] =	vst.idx.add.f32.msk $0xffff, v2;
	v4 =	vadd.s32 v3, v4  }
0x7b: {  	v7 =	vshll.u32 v60, $0x7;
	[tilespmem:v9+s12+$0x0] =	vst.idx.add.f32.msk $0xffff, v2;
	v8 =	vshll.u32 v61, $0x7;
	v6 =	vadd.s32 v3, v6  }
0x7c: {  	v7 =	vadd.s32 v3, v7;
	v62 =	vadd.s32 v57, v14;
	[tilespmem:v5+s12+$0x0] =	vst.idx.add.f32.msk $0xffff, v2;
	v5 =	vmul.u32 $0xA, v13  }
0x7d: {  	v63 =	vadd.s32 v58, v19;
	[tilespmem:v10+s12+$0x0] =	vst.idx.add.f32.msk $0xffff, v2;
	v8 =	vadd.s32 v3, v8;
	v9 =	vshll.u32 v62, $0x7  }
0x7e: {  	[tilespmem:v11+s12+$0x0] =	vst.idx.add.f32.msk $0xffff, v2;
	v10 =	vshll.u32 v63, $0x7;
	v9 =	vadd.s32 v3, v9;
	v5 =	vadd.s32 v53, v5  }
0x7f: {  	[tilespmem:v4+s12+$0x0] =	vst.idx.add.f32.msk $0xffff, v2;
	v4 =	vadd.s32 v3, v10;
	v5 =	vshll.u32 v5, $0x7  }
0x80: {  	[tilespmem:v6+s12+$0x0] =	vst.idx.add.f32.msk $0xffff, v2;
	v5 =	vadd.s32 v3, v5  }
0x81: {  	[tilespmem:v7+s12+$0x0] =	vst.idx.add.f32.msk $0xffff, v2  }
0x82: {  	[tilespmem:v8+s12+$0x0] =	vst.idx.add.f32.msk $0xffff, v2  }
0x83: {  	[tilespmem:v9+s12+$0x0] =	vst.idx.add.f32.msk $0xffff, v2  }
0x84: {  	[tilespmem:v4+s12+$0x0] =	vst.idx.add.f32.msk $0xffff, v2  }
0x85: {  	s22 =	sadd.s32 $0x800, s18;
	s23 =	smov.u32 s17;
	s21 =	simm.s32 $0x0;
	[tilespmem:v5+s12+$0x0] =	vst.idx.add.f32.msk $0xffff, v2  }
.LBB2_5:
0x86: {  	v4 =	vld [tilespmem:s22+$0x380];
	s21 =	sadd.s32 $0x10, s21  }
0x87: {  	s23 =	sadd.s32 $0x800, s23;
	v5 =	vld [tilespmem:s22+$0xFFFFFC80];
	p0 =	slt.u32 s21, $0xB0  }
0x88: {  	v6 =	vld [tilespmem:s23+$0x380]  }
0x89: {  	v7 =	vld [tilespmem:s22+$0xFFFFFD00]  }
0x8a: {  	v8 =	vld [tilespmem:s22+$0xFFFFFD80]  }
0x8b: {  	v9 =	vld [tilespmem:s22+$0xFFFFFE00];
	v4 =	vmul.u32 $0xA, v4  }
0x8c: {  	v5 =	vmul.u32 $0xA, v5;
	v10 =	vld [tilespmem:s22+$0xFFFFFE80]  }
0x8d: {  	v11 =	vld [tilespmem:s22+$0xFFFFFF00];
	v4 =	vadd.s32 v6, v4  }
0x8e: {  	v6 =	vmul.u32 $0xA, v7;
	v7 =	vld [tilespmem:s22+$0xFFFFFF80];
	v4 =	vshll.u32 v4, $0x7  }
0x8f: {  	v8 =	vmul.u32 $0xA, v8;
	v12 =	vld [tilespmem:s22+$0x0];
	v4 =	vadd.s32 v3, v4  }
0x90: {  	v9 =	vmul.u32 $0xA, v9;
	v13 =	vld [tilespmem:s22+$0x80]  }
0x91: {  	v10 =	vmul.u32 $0xA, v10;
	v14 =	vld [tilespmem:s22+$0x100]  }
0x92: {  	v11 =	vmul.u32 $0xA, v11;
	v15 =	vld [tilespmem:s22+$0x180]  }
0x93: {  	v7 =	vmul.u32 $0xA, v7;
	v16 =	vld [tilespmem:s22+$0x200]  }
0x94: {  	s24 =	simm.s32 $0x0;
	v12 =	vmul.u32 $0xA, v12;
	[tilespmem:v4+s12+$0x0] =	vst.idx.add.f32.msk $0xffff, v2  }
0x95: {  	v4 =	vmul.u32 $0xA, v13;
	v13 =	vld [tilespmem:s22+$0x280]  }
0x96: {  	v14 =	vmul.u32 $0xA, v14;
	v17 =	vld [tilespmem:s22+$0x300]  }
0x97: {  	v18 =	vld [tilespmem:s22+$0xFFFFFC00];
	v15 =	vmul.u32 $0xA, v15  }
0x98: {  	v19 =	vld [tilespmem:s23+$0xFFFFFC00];
	v16 =	vmul.u32 $0xA, v16  }
0x99: {  	v20 =	vld [tilespmem:s23+$0xFFFFFC80]  }
0x9a: {  	v21 =	vld [tilespmem:s23+$0xFFFFFD00];
	v13 =	vmul.u32 $0xA, v13  }
0x9b: {  	v22 =	vld [tilespmem:s23+$0xFFFFFD80];
	v17 =	vmul.u32 $0xA, v17  }
0x9c: {  	v18 =	vmul.u32 $0xA, v18;
	v23 =	vld [tilespmem:s23+$0xFFFFFE00]  }
0x9d: {  	v24 =	vld [tilespmem:s23+$0xFFFFFE80]  }
0x9e: {  	v18 =	vadd.s32 v19, v18;
	v5 =	vadd.s32 v20, v5;
	v19 =	vld [tilespmem:s23+$0xFFFFFF00]  }
0x9f: {  	v18 =	vshll.u32 v18, $0x7;
	v5 =	vshll.u32 v5, $0x7;
	v6 =	vadd.s32 v21, v6;
	v20 =	vld [tilespmem:s23+$0xFFFFFF80]  }
0xa0: {  	v18 =	vadd.s32 v3, v18;
	v6 =	vshll.u32 v6, $0x7;
	v8 =	vadd.s32 v22, v8;
	v21 =	vld [tilespmem:s23+$0x0]  }
0xa1: {  	v5 =	vadd.s32 v3, v5;
	v8 =	vshll.u32 v8, $0x7;
	v9 =	vadd.s32 v23, v9;
	v22 =	vld [tilespmem:s23+$0x80]  }
0xa2: {  	v6 =	vadd.s32 v3, v6;
	v9 =	vshll.u32 v9, $0x7;
	v10 =	vadd.s32 v24, v10;
	v23 =	vld [tilespmem:s23+$0x100]  }
0xa3: {  	v8 =	vadd.s32 v3, v8;
	v10 =	vshll.u32 v10, $0x7;
	v11 =	vadd.s32 v19, v11;
	v19 =	vld [tilespmem:s23+$0x180]  }
0xa4: {  	v9 =	vadd.s32 v3, v9;
	v11 =	vshll.u32 v11, $0x7;
	v7 =	vadd.s32 v20, v7;
	v20 =	vld [tilespmem:s23+$0x200]  }
0xa5: {  	v10 =	vadd.s32 v3, v10;
	v7 =	vshll.u32 v7, $0x7;
	v12 =	vadd.s32 v21, v12;
	v21 =	vld [tilespmem:s23+$0x280]  }
0xa6: {  	v11 =	vadd.s32 v3, v11;
	v12 =	vshll.u32 v12, $0x7;
	v4 =	vadd.s32 v22, v4;
	v22 =	vld [tilespmem:s23+$0x300]  }
0xa7: {  	v7 =	vadd.s32 v3, v7;
	[tilespmem:v18+s12+$0x0] =	vst.idx.add.f32.msk $0xffff, v2;
	v4 =	vshll.u32 v4, $0x7;
	v14 =	vadd.s32 v23, v14  }
0xa8: {  	[tilespmem:v5+s12+$0x0] =	vst.idx.add.f32.msk $0xffff, v2;
	v5 =	vadd.s32 v3, v12;
	v12 =	vshll.u32 v14, $0x7;
	v14 =	vadd.s32 v19, v15  }
0xa9: {  	v4 =	vadd.s32 v3, v4;
	[tilespmem:v6+s12+$0x0] =	vst.idx.add.f32.msk $0xffff, v2;
	v6 =	vshll.u32 v14, $0x7;
	v14 =	vadd.s32 v20, v16  }
0xaa: {  	[tilespmem:v8+s12+$0x0] =	vst.idx.add.f32.msk $0xffff, v2;
	v8 =	vadd.s32 v3, v12;
	v12 =	vshll.u32 v14, $0x7;
	v13 =	vadd.s32 v21, v13  }
0xab: {  	v6 =	vadd.s32 v3, v6;
	[tilespmem:v9+s12+$0x0] =	vst.idx.add.f32.msk $0xffff, v2;
	v9 =	vshll.u32 v13, $0x7;
	v13 =	vadd.s32 v22, v17  }
0xac: {  	[tilespmem:v10+s12+$0x0] =	vst.idx.add.f32.msk $0xffff, v2;
	v10 =	vadd.s32 v3, v12;
	v9 =	vadd.s32 v3, v9;
	v12 =	vshll.u32 v13, $0x7  }
0xad: {  	[tilespmem:v11+s12+$0x0] =	vst.idx.add.f32.msk $0xffff, v2;
	v11 =	vadd.s32 v3, v12  }
0xae: {  	[tilespmem:v7+s12+$0x0] =	vst.idx.add.f32.msk $0xffff, v2  }
0xaf: {  	[tilespmem:v5+s12+$0x0] =	vst.idx.add.f32.msk $0xffff, v2  }
0xb0: {  	[tilespmem:v4+s12+$0x0] =	vst.idx.add.f32.msk $0xffff, v2  }
.Ltmp1:
0xb1: {  	[tilespmem:v8+s12+$0x0] =	vst.idx.add.f32.msk $0xffff, v2;
	(pc) =	sbr.rel @p0 .LBB2_5-.Ltmp1, $4  }
0xb2: {  	[tilespmem:v6+s12+$0x0] =	vst.idx.add.f32.msk $0xffff, v2  }
0xb3: {  	[tilespmem:v10+s12+$0x0] =	vst.idx.add.f32.msk $0xffff, v2  }
0xb4: {  	[tilespmem:v9+s12+$0x0] =	vst.idx.add.f32.msk $0xffff, v2  }
0xb5: {  	s22 =	sadd.s32 $0x800, s22;
	[tilespmem:v11+s12+$0x0] =	vst.idx.add.f32.msk $0xffff, v2  }
.LBB2_6:
0xb6: {  	s21 =	sshra.s32 s24, $0x2  }
0xb7: {  	s22 =	sadd.s32 s21, s20  }
0xb8: {  	v4 =	vld [tilespmem:s22+$0x0]  }
0xb9: {  	s21 =	sadd.s32 s21, s19  }
0xba: {  	v5 =	vld [tilespmem:s21+$0x0];
	_ =	sdelay $0x2  }
0xbb: {  	v4 =	vmul.u32 $0xA, v4;
	_ =	sdelay $0x1  }
0xbc: {  	v4 =	vadd.s32 v5, v4  }
0xbd: {  	v4 =	vshll.u32 v4, $0x7  }
0xbe: {  	p0 =	sne.s32 s24, $0xE00;
	v4 =	vadd.s32 v3, v4  }
.Ltmp2:
0xbf: {  	_ = 	snop;
	(pc) =	sbr.rel @p0 .LBB2_6-.Ltmp2, $2  }
0xc0: {  	_ =	sdelay $0x2  }
0xc1: {  	s24 =	sadd.s32 $0x200, s24;
	[tilespmem:v4+s12+$0x0] =	vst.idx.add.f32.msk $0xffff, v2  }
0xc2: {  	s16 =	sadd.s32 $0x1, s16  }
0xc3: {  	p0 =	sne.s32 s16, $0x8  }
.Ltmp3:
0xc4: {  	_ = 	snop;
	(pc) =	sbr.rel @p0 .LBB2_4-.Ltmp3, $3  }
0xc5: {  	_ =	sdelay $0x1  }
0xc6: {  	s17 =	sadd.s32 $0x10, s17  }
0xc7: {  	s18 =	sadd.s32 $0x10, s18;
	s19 =	sadd.s32 $0x10, s19;
	s20 =	sadd.s32 $0x10, s20  }
0xc8: {  	[hbm4b:s5+s7] =	stream.strided.scatter [tilespmem:s12], [sflag:$0x3], $0x8000, s8, s7, $0x38;
	[tilespmem:$0x14C00] =	vst v63  }
0xc9: {  	s15 =	sadd.s32 $0x1, s15  }
0xca: {  	p0 =	sne.s32 s15, s6  }
.Ltmp4:
0xcb: {  	s16 =	sadd.s32 $0x20000, s5;
	(pc) =	sbr.rel @p0 .LBB2_1-.Ltmp4, $4  }
0xcc: {  	[hbm4b:s16+s2] =	stream.linear.scatter [tilespmem:s13], [sflag:$0x3], $0x200, $0x38;
	[tilespmem:$0x14C00] =	vst v63  }
0xcd: {  	_ =	swait.ge [sflag:s14], $0x8200  }
0xce: {  	[sflag:s14] =	ssyncset.done $0x0  }
0xcf: {  	[sflag:s14] =	ssyncadd.s32 $0xFFFF7E00  }
0xd0: {  	_ =	sfence.sel $0x180000  }
0xd1: {  	[bflag:$0x0] =	sbarrier.arrive $0xFFFF  }
0xd2: {  	p0 =	sne.s32 s1, $0x0;
	_ =	strace $0x90000047  }
0xd3: {  	s0 =	sadd.s32 @!p0 $0x100000, s0;
	[bflag:$0x2] =	sbarrier.arrive $0xFFFF  }
0xd4: {  	[sflag:s0] =	ssyncadd.tile.s32 @!p0 $0x1;
	_ =	shalt  }
.Lfunc_end2:
_tile_overlayer_lowered:
.L_overlay_start_2:
0xd5: {  	(tag) =	ssettag $0x2  }
0xd6: {  	s0 =	rddreg [dreg:$0x0];
	s2 =	stileid.u32  }
0xd7: {  	s1 =	rddreg [dreg:$0x1];
	p0 =	sne.s32 s2, $0x0  }
0xd8: {  	s3 =	rddreg [dreg:$0x2];
	[bflag:$0x3] =	sbarrier.arrive $0xFFFF;
	s2 =	simm.s32 @!p0 $0x1C03  }
0xd9: {  	[timem:s3], [sflag:s2] =	dma.local @!p0 [hbm:s0], s1  }
0xda: {  	s0 =	simm.s32 @!p0 $0x3  }
0xdb: {  	_ =	swait.ge @!p0 [sflag:s0], s1  }
0xdc: {  	s1 =	ssub.s32 @!p0 $0x0, s1;
	[sflag:s0] =	ssyncset.done @!p0 $0x0  }
0xdd: {  	[sflag:s0] =	ssyncadd.s32 @!p0 s1  }
0xde: {  	[bflag:$0x3] =	sbarrier.arrive $0xFFFF  }
0xdf: {  	_ =	shalt  }

</sc_bundles>
